<compile_context>
chip_gen: v7x
topology: tpu7x:2x2x1
jax: 0.10.2.dev20260603
libtpu: 0.0.44.dev20260713+nightly
codegen_flags: <defaults>
</compile_context>

<pallas_src>
import functools

import jax
import jax.numpy as jnp
from jax import lax
from jax.experimental import pallas as pl
from jax.experimental.pallas import tpu as pltpu
from jax.experimental.pallas import tpu_sc as plsc

BATCH = 16384
EMBED = 64
TABLE = 1000000
SLAB = 2 * EMBED
NC, NS = 2, 16
NW = NC * NS
B_PER_W = BATCH // NW
CW = 256
NCHUNK = B_PER_W // CW


def _relayout_body(a_ref, b_ref, o_ref):
    o_ref[:, :EMBED] = a_ref[...]
    o_ref[:, EMBED:] = b_ref[...]


def _tc_relayout(tab):
    RB = 4000
    nblk = TABLE // 2 // RB
    return pl.pallas_call(
        _relayout_body,
        grid=(nblk,),
        in_specs=[
            pl.BlockSpec((RB, EMBED), lambda i: (i, 0)),
            pl.BlockSpec((RB, EMBED), lambda i: (i + TABLE // 2 // RB, 0)),
        ],
        out_specs=pl.BlockSpec((RB, SLAB), lambda i: (i, 0)),
        out_shape=jax.ShapeDtypeStruct((TABLE // 2, SLAB), jnp.float32),
    )(tab, tab)


def _sc_gather(uslab, islab, utab2, itab2):
    mesh = plsc.VectorSubcoreMesh(core_axis_name="c", subcore_axis_name="s")
    out = jax.ShapeDtypeStruct((BATCH, SLAB), jnp.float32)

    @functools.partial(
        pl.kernel,
        mesh=mesh,
        out_type=[out, out],
        scratch_types=[
            pltpu.VMEM((B_PER_W,), jnp.int32),
            pltpu.VMEM((B_PER_W,), jnp.int32),
            pltpu.VMEM((CW, SLAB), jnp.float32),
            pltpu.VMEM((CW, SLAB), jnp.float32),
            pltpu.SemaphoreType.DMA,
            pltpu.SemaphoreType.DMA,
        ],
    )
    def gather_k(uidx_hbm, iidx_hbm, utab_hbm, itab_hbm, uout_hbm, iout_hbm,
                 uidx_v, iidx_v, ubuf, ibuf, usem, isem):
        wid = lax.axis_index("s") * NC + lax.axis_index("c")
        base = wid * B_PER_W
        pltpu.sync_copy(uidx_hbm.at[pl.ds(base, B_PER_W)], uidx_v)
        pltpu.sync_copy(iidx_hbm.at[pl.ds(base, B_PER_W)], iidx_v)

        for c in range(NCHUNK):
            off = c * CW
            ucp = pltpu.make_async_copy(
                utab_hbm.at[uidx_v.at[pl.ds(off, CW)]], ubuf, usem)
            icp = pltpu.make_async_copy(
                itab_hbm.at[iidx_v.at[pl.ds(off, CW)]], ibuf, isem)
            ucp.start()
            icp.start()
            ucp.wait()
            pltpu.sync_copy(ubuf, uout_hbm.at[pl.ds(base + off, CW)])
            icp.wait()
            pltpu.sync_copy(ibuf, iout_hbm.at[pl.ds(base + off, CW)])

    return gather_k(uslab, islab, utab2, itab2)


def _mlp_body(u_ref, v_ref, up_ref, vp_ref, w1u_ref, w1v_ref, b1_ref,
              w2_ref, b2_ref, w3_ref, b3_ref, w4_ref, b4_ref, o_ref):
    up = up_ref[...] > 0
    vp = vp_ref[...] > 0
    u = jnp.where(up, u_ref[:, EMBED:], u_ref[:, :EMBED])
    v = jnp.where(vp, v_ref[:, EMBED:], v_ref[:, :EMBED])
    h = jnp.dot(u, w1u_ref[...], preferred_element_type=jnp.float32)
    h += jnp.dot(v, w1v_ref[...], preferred_element_type=jnp.float32)
    h = jnp.maximum(h + b1_ref[...], 0.0)
    h = jnp.dot(h, w2_ref[...], preferred_element_type=jnp.float32)
    h = jnp.maximum(h + b2_ref[...], 0.0)
    h = jnp.dot(h, w3_ref[...], preferred_element_type=jnp.float32)
    h = jnp.maximum(h + b3_ref[...], 0.0)
    z = jnp.dot(h, w4_ref[...], preferred_element_type=jnp.float32) + b4_ref[...]
    o_ref[...] = jax.nn.sigmoid(z)


def _tc_mlp(u_emb, i_emb, upar, ipar, W1, b1, W2, b2, W3, b3, W4, b4):
    BB = 2048
    grid = (BATCH // BB,)
    w1u = W1[:, :EMBED].T
    w1v = W1[:, EMBED:].T
    w2t = W2.T
    w3t = W3.T
    w4t = W4.T
    full = lambda shape: pl.BlockSpec(shape, lambda i: (0, 0))
    out = pl.pallas_call(
        _mlp_body,
        grid=grid,
        in_specs=[
            pl.BlockSpec((BB, SLAB), lambda i: (i, 0)),
            pl.BlockSpec((BB, SLAB), lambda i: (i, 0)),
            pl.BlockSpec((BB, 1), lambda i: (i, 0)),
            pl.BlockSpec((BB, 1), lambda i: (i, 0)),
            full(w1u.shape),
            full(w1v.shape),
            full((1, 128)),
            full(w2t.shape),
            full((1, 64)),
            full(w3t.shape),
            full((1, 32)),
            full(w4t.shape),
            full((1, 1)),
        ],
        out_specs=pl.BlockSpec((BB, 1), lambda i: (i, 0)),
        out_shape=jax.ShapeDtypeStruct((BATCH, 1), jnp.float32),
    )(u_emb, i_emb, upar.reshape(-1, 1), ipar.reshape(-1, 1),
      w1u, w1v, b1.reshape(1, -1), w2t,
      b2.reshape(1, -1), w3t, b3.reshape(1, -1), w4t, b4.reshape(1, 1))
    return jnp.squeeze(out, axis=-1)


def kernel(user_ids, item_ids, user_table, item_table,
           W1, b1, W2, b2, W3, b3, W4, b4):
    uids = user_ids.astype(jnp.int32)
    iids = item_ids.astype(jnp.int32)
    utab2 = _tc_relayout(user_table)
    itab2 = _tc_relayout(item_table)
    half = TABLE // 2
    u_emb, i_emb = _sc_gather(uids % half, iids % half, utab2, itab2)
    return _tc_mlp(u_emb, i_emb, uids // half, iids // half,
                   W1, b1, W2, b2, W3, b3, W4, b4)

# --- scband reference (transcript-rebuilt; emitter-appended) ---
"""Pipeline reference for scband-neural-cf-89919435309434 (READ-ONLY COPY).

The authoritative reference and input builder live on the scoring server;
editing this copy changes nothing except your own understanding.
"""

import jax, jax.numpy as jnp
import numpy as np

NUM_USERS = 1000000
NUM_ITEMS = 1000000
EMBED_DIM = 64
BATCH = 16384
HIDDEN = [128, 64, 32]

def setup_inputs(seed: int = 0) -> dict:
    key = jax.random.key(seed)
    ks = jax.random.split(key, 12)
    user_ids = jax.random.randint(ks[0], (BATCH,), 0, NUM_USERS, dtype=jnp.int64) if jax.config.jax_enable_x64 else jax.random.randint(ks[0], (BATCH,), 0, NUM_USERS).astype(jnp.int32)
    item_ids = jax.random.randint(ks[1], (BATCH,), 0, NUM_ITEMS).astype(user_ids.dtype)
    user_table = jax.random.normal(ks[2], (NUM_USERS, EMBED_DIM), dtype=jnp.float32) * 0.01
    item_table = jax.random.normal(ks[3], (NUM_ITEMS, EMBED_DIM), dtype=jnp.float32) * 0.01
    dims = [EMBED_DIM * 2] + HIDDEN + [1]
    params = {}
    for i in range(len(dims) - 1):
        fan_in, fan_out = dims[i], dims[i + 1]
        limit = float(np.sqrt(6.0 / (fan_in + fan_out)))
        params[f"W{i+1}"] = jax.random.uniform(ks[4 + i], (fan_out, fan_in), dtype=jnp.float32, minval=-limit, maxval=limit)
        params[f"b{i+1}"] = jnp.zeros((fan_out,), dtype=jnp.float32)
    out = {"user_ids": user_ids, "item_ids": item_ids, "user_table": user_table, "item_table": item_table}
    out.update(params)
    return out

def reference(user_ids, item_ids, user_table, item_table, W1, b1, W2, b2, W3, b3, W4, b4):
    user_emb = jnp.take(user_table, user_ids, axis=0)
    item_emb = jnp.take(item_table, item_ids, axis=0)
    x = jnp.concatenate([user_emb, item_emb], axis=1)
    # Dropout is identity in eval/inference mode
    h = jax.nn.relu(x @ W1.T + b1)
    h = jax.nn.relu(h @ W2.T + b2)
    h = jax.nn.relu(h @ W3.T + b3)
    out = jax.nn.sigmoid(h @ W4.T + b4)
    return jnp.squeeze(out, axis=-1)

if __name__ == "__main__":
    import jax
    _d = setup_inputs()
    print(jax.jit(kernel)(*tuple(_d.values())))

</pallas_src>

<mosaic_0001>
#map = affine_map<(d0, d1) -> (0)>
#map1 = affine_map<(d0, d1) -> (0, 0)>
module attributes {stable_mosaic.version = 14 : i64} {
  func.func @gather_k(%arg0: i32, %arg1: i32, %arg2: memref<16384xi32, #tpu.memory_space<hbm>>, %arg3: memref<16384xi32, #tpu.memory_space<hbm>>, %arg4: memref<500000x128xf32, #tpu.memory_space<hbm>>, %arg5: memref<500000x128xf32, #tpu.memory_space<hbm>>, %arg6: memref<16384x128xf32, #tpu.memory_space<hbm>>, %arg7: memref<16384x128xf32, #tpu.memory_space<hbm>>, %arg8: memref<512xi32, #tpu.memory_space<vmem>>, %arg9: memref<512xi32, #tpu.memory_space<vmem>>, %arg10: memref<256x128xf32, #tpu.memory_space<vmem>>, %arg11: memref<256x128xf32, #tpu.memory_space<vmem>>, %arg12: memref<!tpu.dma_semaphore, #tpu.memory_space<semaphore_mem>>, %arg13: memref<!tpu.dma_semaphore, #tpu.memory_space<semaphore_mem>>) attributes {dimension_semantics = [#tpu.dimension_semantics<core_parallel>, #tpu.dimension_semantics<subcore_parallel>], iteration_bounds = array<i64: 2, 16>, scalar_prefetch = 0 : i64, scratch_operands = 6 : i64, tpu.core_type = #tpu.core_type<sc_vector_subcore>, window_params = [{transform_indices = #map}, {transform_indices = #map}, {transform_indices = #map1}, {transform_indices = #map1}, {transform_indices = #map1}, {transform_indices = #map1}]} {
    %mul3A = arith.constant 2 : i32
    %mul3A_0 = arith.muli %arg1, %mul3A : i32
    %add3A = arith.addi %mul3A_0, %arg0 : i32
    %mul3A_1 = arith.constant 512 : i32
    %mul3A_2 = arith.muli %add3A, %mul3A_1 : i32
    "tpu.region"() ({
      %run_scoped3A = tpu.sem_alloc : memref<!tpu.dma_semaphore, #tpu.memory_space<semaphore_mem>>
      %dma_start3A_49 = tpu.memref_slice %arg2[%mul3A_2] : memref<16384xi32, #tpu.memory_space<hbm>> -> memref<512xi32, #tpu.memory_space<hbm>>
      %dma_start3A_50 = tpu.memref_slice %arg2[%mul3A_2] : memref<16384xi32, #tpu.memory_space<hbm>> -> memref<512xi32, #tpu.memory_space<hbm>>
      tpu.enqueue_dma source(%dma_start3A_50 : memref<512xi32, #tpu.memory_space<hbm>>) target(%arg8 : memref<512xi32, #tpu.memory_space<vmem>>) target_semaphore(%run_scoped3A : memref<!tpu.dma_semaphore, #tpu.memory_space<semaphore_mem>>)
      %dma_wait3A_51 = tpu.memref_slice %arg2[%mul3A_2] : memref<16384xi32, #tpu.memory_space<hbm>> -> memref<512xi32, #tpu.memory_space<hbm>>
      %dma_wait3A_52 = tpu.memref_slice %arg2[%mul3A_2] : memref<16384xi32, #tpu.memory_space<hbm>> -> memref<512xi32, #tpu.memory_space<hbm>>
      tpu.wait_dma2 semaphore(%run_scoped3A : memref<!tpu.dma_semaphore, #tpu.memory_space<semaphore_mem>>) src(%dma_wait3A_52 : memref<512xi32, #tpu.memory_space<hbm>>) dst(%arg8 : memref<512xi32, #tpu.memory_space<vmem>>)
      tpu.yield
    }) : () -> ()
    "tpu.region"() ({
      %run_scoped3A = tpu.sem_alloc : memref<!tpu.dma_semaphore, #tpu.memory_space<semaphore_mem>>
      %dma_start3A_49 = tpu.memref_slice %arg3[%mul3A_2] : memref<16384xi32, #tpu.memory_space<hbm>> -> memref<512xi32, #tpu.memory_space<hbm>>
      %dma_start3A_50 = tpu.memref_slice %arg3[%mul3A_2] : memref<16384xi32, #tpu.memory_space<hbm>> -> memref<512xi32, #tpu.memory_space<hbm>>
      tpu.enqueue_dma source(%dma_start3A_50 : memref<512xi32, #tpu.memory_space<hbm>>) target(%arg9 : memref<512xi32, #tpu.memory_space<vmem>>) target_semaphore(%run_scoped3A : memref<!tpu.dma_semaphore, #tpu.memory_space<semaphore_mem>>)
      %dma_wait3A_51 = tpu.memref_slice %arg3[%mul3A_2] : memref<16384xi32, #tpu.memory_space<hbm>> -> memref<512xi32, #tpu.memory_space<hbm>>
      %dma_wait3A_52 = tpu.memref_slice %arg3[%mul3A_2] : memref<16384xi32, #tpu.memory_space<hbm>> -> memref<512xi32, #tpu.memory_space<hbm>>
      tpu.wait_dma2 semaphore(%run_scoped3A : memref<!tpu.dma_semaphore, #tpu.memory_space<semaphore_mem>>) src(%dma_wait3A_52 : memref<512xi32, #tpu.memory_space<hbm>>) dst(%arg9 : memref<512xi32, #tpu.memory_space<vmem>>)
      tpu.yield
    }) : () -> ()
    %dma_start3A = arith.constant 0 : i32
    %dma_start3A_3 = tpu.memref_slice %arg8[%dma_start3A] : memref<512xi32, #tpu.memory_space<vmem>> -> memref<256xi32, #tpu.memory_space<vmem>>
    %dma_start3A_4 = arith.constant 0 : i32
    %dma_start3A_5 = arith.constant 0 : i32
    %dma_start3A_6 = tpu.memref_slice %arg4[%dma_start3A_4, %dma_start3A_5] : memref<500000x128xf32, #tpu.memory_space<hbm>> -> memref<500000x128xf32, #tpu.memory_space<hbm>>
    tpu.enqueue_indirect_dma source(%dma_start3A_6 : memref<500000x128xf32, #tpu.memory_space<hbm>>) target(%arg10 : memref<256x128xf32, #tpu.memory_space<vmem>>) offsets(%dma_start3A_3 : memref<256xi32, #tpu.memory_space<vmem>>) semaphore(%arg12 : memref<!tpu.dma_semaphore, #tpu.memory_space<semaphore_mem>>)
    %dma_start3A_7 = arith.constant 0 : i32
    %dma_start3A_8 = tpu.memref_slice %arg9[%dma_start3A_7] : memref<512xi32, #tpu.memory_space<vmem>> -> memref<256xi32, #tpu.memory_space<vmem>>
    %dma_start3A_9 = arith.constant 0 : i32
    %dma_start3A_10 = arith.constant 0 : i32
    %dma_start3A_11 = tpu.memref_slice %arg5[%dma_start3A_9, %dma_start3A_10] : memref<500000x128xf32, #tpu.memory_space<hbm>> -> memref<500000x128xf32, #tpu.memory_space<hbm>>
    tpu.enqueue_indirect_dma source(%dma_start3A_11 : memref<500000x128xf32, #tpu.memory_space<hbm>>) target(%arg11 : memref<256x128xf32, #tpu.memory_space<vmem>>) offsets(%dma_start3A_8 : memref<256xi32, #tpu.memory_space<vmem>>) semaphore(%arg13 : memref<!tpu.dma_semaphore, #tpu.memory_space<semaphore_mem>>)
    %dma_wait3A = arith.constant 0 : i32
    %dma_wait3A_12 = tpu.memref_slice %arg8[%dma_wait3A] : memref<512xi32, #tpu.memory_space<vmem>> -> memref<256xi32, #tpu.memory_space<vmem>>
    %dma_wait3A_13 = arith.constant 0 : i32
    %dma_wait3A_14 = arith.constant 0 : i32
    %dma_wait3A_15 = tpu.memref_slice %arg4[%dma_wait3A_13, %dma_wait3A_14] : memref<500000x128xf32, #tpu.memory_space<hbm>> -> memref<500000x128xf32, #tpu.memory_space<hbm>>
    tpu.wait_indirect_dma semaphore(%arg12 : memref<!tpu.dma_semaphore, #tpu.memory_space<semaphore_mem>>) src(%dma_wait3A_15 : memref<500000x128xf32, #tpu.memory_space<hbm>>) dst(%arg10 : memref<256x128xf32, #tpu.memory_space<vmem>>)
    %add3A_16 = arith.constant 0 : i32
    %add3A_17 = arith.addi %mul3A_2, %add3A_16 : i32
    "tpu.region"() ({
      %run_scoped3A = tpu.sem_alloc : memref<!tpu.dma_semaphore, #tpu.memory_space<semaphore_mem>>
      %dma_start3A_49 = arith.constant 0 : i32
      %dma_start3A_50 = tpu.memref_slice %arg6[%add3A_17, %dma_start3A_49] : memref<16384x128xf32, #tpu.memory_space<hbm>> -> memref<256x128xf32, #tpu.memory_space<hbm>>
      %dma_start3A_51 = arith.constant 0 : i32
      %dma_start3A_52 = tpu.memref_slice %arg6[%add3A_17, %dma_start3A_51] : memref<16384x128xf32, #tpu.memory_space<hbm>> -> memref<256x128xf32, #tpu.memory_space<hbm>>
      tpu.enqueue_dma source(%arg10 : memref<256x128xf32, #tpu.memory_space<vmem>>) target(%dma_start3A_52 : memref<256x128xf32, #tpu.memory_space<hbm>>) target_semaphore(%run_scoped3A : memref<!tpu.dma_semaphore, #tpu.memory_space<semaphore_mem>>)
      %dma_wait3A_53 = arith.constant 0 : i32
      %dma_wait3A_54 = tpu.memref_slice %arg6[%add3A_17, %dma_wait3A_53] : memref<16384x128xf32, #tpu.memory_space<hbm>> -> memref<256x128xf32, #tpu.memory_space<hbm>>
      %dma_wait3A_55 = arith.constant 0 : i32
      %dma_wait3A_56 = tpu.memref_slice %arg6[%add3A_17, %dma_wait3A_55] : memref<16384x128xf32, #tpu.memory_space<hbm>> -> memref<256x128xf32, #tpu.memory_space<hbm>>
      tpu.wait_dma2 semaphore(%run_scoped3A : memref<!tpu.dma_semaphore, #tpu.memory_space<semaphore_mem>>) src(%arg10 : memref<256x128xf32, #tpu.memory_space<vmem>>) dst(%dma_wait3A_56 : memref<256x128xf32, #tpu.memory_space<hbm>>)
      tpu.yield
    }) : () -> ()
    %dma_wait3A_18 = arith.constant 0 : i32
    %dma_wait3A_19 = tpu.memref_slice %arg9[%dma_wait3A_18] : memref<512xi32, #tpu.memory_space<vmem>> -> memref<256xi32, #tpu.memory_space<vmem>>
    %dma_wait3A_20 = arith.constant 0 : i32
    %dma_wait3A_21 = arith.constant 0 : i32
    %dma_wait3A_22 = tpu.memref_slice %arg5[%dma_wait3A_20, %dma_wait3A_21] : memref<500000x128xf32, #tpu.memory_space<hbm>> -> memref<500000x128xf32, #tpu.memory_space<hbm>>
    tpu.wait_indirect_dma semaphore(%arg13 : memref<!tpu.dma_semaphore, #tpu.memory_space<semaphore_mem>>) src(%dma_wait3A_22 : memref<500000x128xf32, #tpu.memory_space<hbm>>) dst(%arg11 : memref<256x128xf32, #tpu.memory_space<vmem>>)
    %add3A_23 = arith.constant 0 : i32
    %add3A_24 = arith.addi %mul3A_2, %add3A_23 : i32
    "tpu.region"() ({
      %run_scoped3A = tpu.sem_alloc : memref<!tpu.dma_semaphore, #tpu.memory_space<semaphore_mem>>
      %dma_start3A_49 = arith.constant 0 : i32
      %dma_start3A_50 = tpu.memref_slice %arg7[%add3A_24, %dma_start3A_49] : memref<16384x128xf32, #tpu.memory_space<hbm>> -> memref<256x128xf32, #tpu.memory_space<hbm>>
      %dma_start3A_51 = arith.constant 0 : i32
      %dma_start3A_52 = tpu.memref_slice %arg7[%add3A_24, %dma_start3A_51] : memref<16384x128xf32, #tpu.memory_space<hbm>> -> memref<256x128xf32, #tpu.memory_space<hbm>>
      tpu.enqueue_dma source(%arg11 : memref<256x128xf32, #tpu.memory_space<vmem>>) target(%dma_start3A_52 : memref<256x128xf32, #tpu.memory_space<hbm>>) target_semaphore(%run_scoped3A : memref<!tpu.dma_semaphore, #tpu.memory_space<semaphore_mem>>)
      %dma_wait3A_53 = arith.constant 0 : i32
      %dma_wait3A_54 = tpu.memref_slice %arg7[%add3A_24, %dma_wait3A_53] : memref<16384x128xf32, #tpu.memory_space<hbm>> -> memref<256x128xf32, #tpu.memory_space<hbm>>
      %dma_wait3A_55 = arith.constant 0 : i32
      %dma_wait3A_56 = tpu.memref_slice %arg7[%add3A_24, %dma_wait3A_55] : memref<16384x128xf32, #tpu.memory_space<hbm>> -> memref<256x128xf32, #tpu.memory_space<hbm>>
      tpu.wait_dma2 semaphore(%run_scoped3A : memref<!tpu.dma_semaphore, #tpu.memory_space<semaphore_mem>>) src(%arg11 : memref<256x128xf32, #tpu.memory_space<vmem>>) dst(%dma_wait3A_56 : memref<256x128xf32, #tpu.memory_space<hbm>>)
      tpu.yield
    }) : () -> ()
    %dma_start3A_25 = arith.constant 256 : i32
    %dma_start3A_26 = tpu.memref_slice %arg8[%dma_start3A_25] : memref<512xi32, #tpu.memory_space<vmem>> -> memref<256xi32, #tpu.memory_space<vmem>>
    %dma_start3A_27 = arith.constant 0 : i32
    %dma_start3A_28 = arith.constant 0 : i32
    %dma_start3A_29 = tpu.memref_slice %arg4[%dma_start3A_27, %dma_start3A_28] : memref<500000x128xf32, #tpu.memory_space<hbm>> -> memref<500000x128xf32, #tpu.memory_space<hbm>>
    tpu.enqueue_indirect_dma source(%dma_start3A_29 : memref<500000x128xf32, #tpu.memory_space<hbm>>) target(%arg10 : memref<256x128xf32, #tpu.memory_space<vmem>>) offsets(%dma_start3A_26 : memref<256xi32, #tpu.memory_space<vmem>>) semaphore(%arg12 : memref<!tpu.dma_semaphore, #tpu.memory_space<semaphore_mem>>)
    %dma_start3A_30 = arith.constant 256 : i32
    %dma_start3A_31 = tpu.memref_slice %arg9[%dma_start3A_30] : memref<512xi32, #tpu.memory_space<vmem>> -> memref<256xi32, #tpu.memory_space<vmem>>
    %dma_start3A_32 = arith.constant 0 : i32
    %dma_start3A_33 = arith.constant 0 : i32
    %dma_start3A_34 = tpu.memref_slice %arg5[%dma_start3A_32, %dma_start3A_33] : memref<500000x128xf32, #tpu.memory_space<hbm>> -> memref<500000x128xf32, #tpu.memory_space<hbm>>
    tpu.enqueue_indirect_dma source(%dma_start3A_34 : memref<500000x128xf32, #tpu.memory_space<hbm>>) target(%arg11 : memref<256x128xf32, #tpu.memory_space<vmem>>) offsets(%dma_start3A_31 : memref<256xi32, #tpu.memory_space<vmem>>) semaphore(%arg13 : memref<!tpu.dma_semaphore, #tpu.memory_space<semaphore_mem>>)
    %dma_wait3A_35 = arith.constant 256 : i32
    %dma_wait3A_36 = tpu.memref_slice %arg8[%dma_wait3A_35] : memref<512xi32, #tpu.memory_space<vmem>> -> memref<256xi32, #tpu.memory_space<vmem>>
    %dma_wait3A_37 = arith.constant 0 : i32
    %dma_wait3A_38 = arith.constant 0 : i32
    %dma_wait3A_39 = tpu.memref_slice %arg4[%dma_wait3A_37, %dma_wait3A_38] : memref<500000x128xf32, #tpu.memory_space<hbm>> -> memref<500000x128xf32, #tpu.memory_space<hbm>>
    tpu.wait_indirect_dma semaphore(%arg12 : memref<!tpu.dma_semaphore, #tpu.memory_space<semaphore_mem>>) src(%dma_wait3A_39 : memref<500000x128xf32, #tpu.memory_space<hbm>>) dst(%arg10 : memref<256x128xf32, #tpu.memory_space<vmem>>)
    %add3A_40 = arith.constant 256 : i32
    %add3A_41 = arith.addi %mul3A_2, %add3A_40 : i32
    "tpu.region"() ({
      %run_scoped3A = tpu.sem_alloc : memref<!tpu.dma_semaphore, #tpu.memory_space<semaphore_mem>>
      %dma_start3A_49 = arith.constant 0 : i32
      %dma_start3A_50 = tpu.memref_slice %arg6[%add3A_41, %dma_start3A_49] : memref<16384x128xf32, #tpu.memory_space<hbm>> -> memref<256x128xf32, #tpu.memory_space<hbm>>
      %dma_start3A_51 = arith.constant 0 : i32
      %dma_start3A_52 = tpu.memref_slice %arg6[%add3A_41, %dma_start3A_51] : memref<16384x128xf32, #tpu.memory_space<hbm>> -> memref<256x128xf32, #tpu.memory_space<hbm>>
      tpu.enqueue_dma source(%arg10 : memref<256x128xf32, #tpu.memory_space<vmem>>) target(%dma_start3A_52 : memref<256x128xf32, #tpu.memory_space<hbm>>) target_semaphore(%run_scoped3A : memref<!tpu.dma_semaphore, #tpu.memory_space<semaphore_mem>>)
      %dma_wait3A_53 = arith.constant 0 : i32
      %dma_wait3A_54 = tpu.memref_slice %arg6[%add3A_41, %dma_wait3A_53] : memref<16384x128xf32, #tpu.memory_space<hbm>> -> memref<256x128xf32, #tpu.memory_space<hbm>>
      %dma_wait3A_55 = arith.constant 0 : i32
      %dma_wait3A_56 = tpu.memref_slice %arg6[%add3A_41, %dma_wait3A_55] : memref<16384x128xf32, #tpu.memory_space<hbm>> -> memref<256x128xf32, #tpu.memory_space<hbm>>
      tpu.wait_dma2 semaphore(%run_scoped3A : memref<!tpu.dma_semaphore, #tpu.memory_space<semaphore_mem>>) src(%arg10 : memref<256x128xf32, #tpu.memory_space<vmem>>) dst(%dma_wait3A_56 : memref<256x128xf32, #tpu.memory_space<hbm>>)
      tpu.yield
    }) : () -> ()
    %dma_wait3A_42 = arith.constant 256 : i32
    %dma_wait3A_43 = tpu.memref_slice %arg9[%dma_wait3A_42] : memref<512xi32, #tpu.memory_space<vmem>> -> memref<256xi32, #tpu.memory_space<vmem>>
    %dma_wait3A_44 = arith.constant 0 : i32
    %dma_wait3A_45 = arith.constant 0 : i32
    %dma_wait3A_46 = tpu.memref_slice %arg5[%dma_wait3A_44, %dma_wait3A_45] : memref<500000x128xf32, #tpu.memory_space<hbm>> -> memref<500000x128xf32, #tpu.memory_space<hbm>>
    tpu.wait_indirect_dma semaphore(%arg13 : memref<!tpu.dma_semaphore, #tpu.memory_space<semaphore_mem>>) src(%dma_wait3A_46 : memref<500000x128xf32, #tpu.memory_space<hbm>>) dst(%arg11 : memref<256x128xf32, #tpu.memory_space<vmem>>)
    %add3A_47 = arith.constant 256 : i32
    %add3A_48 = arith.addi %mul3A_2, %add3A_47 : i32
    "tpu.region"() ({
      %run_scoped3A = tpu.sem_alloc : memref<!tpu.dma_semaphore, #tpu.memory_space<semaphore_mem>>
      %dma_start3A_49 = arith.constant 0 : i32
      %dma_start3A_50 = tpu.memref_slice %arg7[%add3A_48, %dma_start3A_49] : memref<16384x128xf32, #tpu.memory_space<hbm>> -> memref<256x128xf32, #tpu.memory_space<hbm>>
      %dma_start3A_51 = arith.constant 0 : i32
      %dma_start3A_52 = tpu.memref_slice %arg7[%add3A_48, %dma_start3A_51] : memref<16384x128xf32, #tpu.memory_space<hbm>> -> memref<256x128xf32, #tpu.memory_space<hbm>>
      tpu.enqueue_dma source(%arg11 : memref<256x128xf32, #tpu.memory_space<vmem>>) target(%dma_start3A_52 : memref<256x128xf32, #tpu.memory_space<hbm>>) target_semaphore(%run_scoped3A : memref<!tpu.dma_semaphore, #tpu.memory_space<semaphore_mem>>)
      %dma_wait3A_53 = arith.constant 0 : i32
      %dma_wait3A_54 = tpu.memref_slice %arg7[%add3A_48, %dma_wait3A_53] : memref<16384x128xf32, #tpu.memory_space<hbm>> -> memref<256x128xf32, #tpu.memory_space<hbm>>
      %dma_wait3A_55 = arith.constant 0 : i32
      %dma_wait3A_56 = tpu.memref_slice %arg7[%add3A_48, %dma_wait3A_55] : memref<16384x128xf32, #tpu.memory_space<hbm>> -> memref<256x128xf32, #tpu.memory_space<hbm>>
      tpu.wait_dma2 semaphore(%run_scoped3A : memref<!tpu.dma_semaphore, #tpu.memory_space<semaphore_mem>>) src(%arg11 : memref<256x128xf32, #tpu.memory_space<vmem>>) dst(%dma_wait3A_56 : memref<256x128xf32, #tpu.memory_space<hbm>>)
      tpu.yield
    }) : () -> ()
    return
  }
}

module attributes {stable_mosaic.version = 14 : i64} {
  func.func @_relayout_body(%arg0: i32, %arg1: memref<4000x64xf32, #tpu.memory_space<vmem>>, %arg2: memref<4000x64xf32, #tpu.memory_space<vmem>>, %arg3: memref<4000x128xf32, #tpu.memory_space<vmem>>) attributes {dimension_semantics = [#tpu.dimension_semantics<arbitrary>], iteration_bounds = array<i64: 125>, scalar_prefetch = 0 : i64, scratch_operands = 0 : i64, tpu.core_type = #tpu.core_type<tc>, window_params = [{transform_indices = @transform_0, window_bounds = array<i64: 4000, 64>}, {transform_indices = @transform_1, window_bounds = array<i64: 4000, 64>}, {transform_indices = @transform_2, window_bounds = array<i64: 4000, 128>}]} {
    %get3A = arith.constant 0 : index
    %get3A_0 = arith.constant 0 : index
    %get3A_1 = vector.load %arg1[%get3A, %get3A_0] : memref<4000x64xf32, #tpu.memory_space<vmem>>, vector<4000x64xf32>
    %swap3A = arith.constant 0 : index
    %swap3A_2 = arith.constant 0 : index
    %swap3A_3 = vector.load %arg3[%swap3A, %swap3A_2] : memref<4000x128xf32, #tpu.memory_space<vmem>>, vector<4000x64xf32>
    tpu.vector_store %arg3[%swap3A, %swap3A_2], %get3A_1 {strides = array<i32>} : memref<4000x128xf32, #tpu.memory_space<vmem>>, vector<4000x64xf32>,
    %get3A_4 = arith.constant 0 : index
    %get3A_5 = arith.constant 0 : index
    %get3A_6 = vector.load %arg2[%get3A_4, %get3A_5] : memref<4000x64xf32, #tpu.memory_space<vmem>>, vector<4000x64xf32>
    %swap3A_7 = arith.constant 0 : index
    %swap3A_8 = arith.constant 64 : index
    %swap3A_9 = vector.load %arg3[%swap3A_7, %swap3A_8] : memref<4000x128xf32, #tpu.memory_space<vmem>>, vector<4000x64xf32>
    tpu.vector_store %arg3[%swap3A_7, %swap3A_8], %get3A_6 {strides = array<i32>} : memref<4000x128xf32, #tpu.memory_space<vmem>>, vector<4000x64xf32>,
    return
  }
  func.func @transform_0(%arg0: i32) -> (i32, i32) {
    %c0_i32 = arith.constant 0 : i32
    %c0_i32_0 = arith.constant 0 : i32
    return %arg0, %c0_i32 : i32, i32
  }
  func.func @transform_1(%arg0: i32) -> (i32, i32) {
    %add3A = arith.constant 125 : i32
    %add3A_0 = arith.addi %arg0, %add3A : i32
    %c0_i32 = arith.constant 0 : i32
    %c0_i32_1 = arith.constant 0 : i32
    return %add3A_0, %c0_i32 : i32, i32
  }
  func.func @transform_2(%arg0: i32) -> (i32, i32) {
    %c0_i32 = arith.constant 0 : i32
    %c0_i32_0 = arith.constant 0 : i32
    return %arg0, %c0_i32 : i32, i32
  }
}

module attributes {stable_mosaic.version = 14 : i64} {
  func.func @_mlp_body(%arg0: i32, %arg1: memref<2048x128xf32, #tpu.memory_space<vmem>>, %arg2: memref<2048x128xf32, #tpu.memory_space<vmem>>, %arg3: memref<2048x1xi32, #tpu.memory_space<vmem>>, %arg4: memref<2048x1xi32, #tpu.memory_space<vmem>>, %arg5: memref<64x128xf32, #tpu.memory_space<vmem>>, %arg6: memref<64x128xf32, #tpu.memory_space<vmem>>, %arg7: memref<1x128xf32, #tpu.memory_space<vmem>>, %arg8: memref<128x64xf32, #tpu.memory_space<vmem>>, %arg9: memref<1x64xf32, #tpu.memory_space<vmem>>, %arg10: memref<64x32xf32, #tpu.memory_space<vmem>>, %arg11: memref<1x32xf32, #tpu.memory_space<vmem>>, %arg12: memref<32x1xf32, #tpu.memory_space<vmem>>, %arg13: memref<1x1xf32, #tpu.memory_space<vmem>>, %arg14: memref<2048x1xf32, #tpu.memory_space<vmem>>) attributes {dimension_semantics = [#tpu.dimension_semantics<arbitrary>], iteration_bounds = array<i64: 8>, scalar_prefetch = 0 : i64, scratch_operands = 0 : i64, tpu.core_type = #tpu.core_type<tc>, window_params = [{transform_indices = @transform_0, window_bounds = array<i64: 2048, 128>}, {transform_indices = @transform_1, window_bounds = array<i64: 2048, 128>}, {transform_indices = @transform_2, window_bounds = array<i64: 2048, 1>}, {transform_indices = @transform_3, window_bounds = array<i64: 2048, 1>}, {pipeline_mode = #tpu.pipeline_mode<synchronous>, transform_indices = @transform_4, window_bounds = array<i64: 64, 128>}, {pipeline_mode = #tpu.pipeline_mode<synchronous>, transform_indices = @transform_5, window_bounds = array<i64: 64, 128>}, {pipeline_mode = #tpu.pipeline_mode<synchronous>, transform_indices = @transform_6, window_bounds = array<i64: 1, 128>}, {pipeline_mode = #tpu.pipeline_mode<synchronous>, transform_indices = @transform_7, window_bounds = array<i64: 128, 64>}, {pipeline_mode = #tpu.pipeline_mode<synchronous>, transform_indices = @transform_8, window_bounds = array<i64: 1, 64>}, {pipeline_mode = #tpu.pipeline_mode<synchronous>, transform_indices = @transform_9, window_bounds = array<i64: 64, 32>}, {pipeline_mode = #tpu.pipeline_mode<synchronous>, transform_indices = @transform_10, window_bounds = array<i64: 1, 32>}, {pipeline_mode = #tpu.pipeline_mode<synchronous>, transform_indices = @transform_11, window_bounds = array<i64: 32, 1>}, {pipeline_mode = #tpu.pipeline_mode<synchronous>, transform_indices = @transform_12, window_bounds = array<i64: 1, 1>}, {transform_indices = @transform_13, window_bounds = array<i64: 2048, 1>}]} {
    %get3A = arith.constant 0 : index
    %get3A_0 = arith.constant 0 : index
    %get3A_1 = vector.load %arg3[%get3A, %get3A_0] : memref<2048x1xi32, #tpu.memory_space<vmem>>, vector<2048x1xi32>
    %gt3A = arith.constant 0 : i32
    %gt3A_2 = vector.broadcast %gt3A : i32 to vector<2048x1xi32>
    %gt3A_3 = arith.cmpi sgt, %get3A_1, %gt3A_2 : vector<2048x1xi32>
    %get3A_4 = arith.constant 0 : index
    %get3A_5 = arith.constant 0 : index
    %get3A_6 = vector.load %arg4[%get3A_4, %get3A_5] : memref<2048x1xi32, #tpu.memory_space<vmem>>, vector<2048x1xi32>
    %gt3A_7 = arith.constant 0 : i32
    %gt3A_8 = vector.broadcast %gt3A_7 : i32 to vector<2048x1xi32>
    %gt3A_9 = arith.cmpi sgt, %get3A_6, %gt3A_8 : vector<2048x1xi32>
    %get3A_10 = arith.constant 0 : index
    %get3A_11 = arith.constant 64 : index
    %get3A_12 = vector.load %arg1[%get3A_10, %get3A_11] : memref<2048x128xf32, #tpu.memory_space<vmem>>, vector<2048x64xf32>
    %get3A_13 = arith.constant 0 : index
    %get3A_14 = arith.constant 0 : index
    %get3A_15 = vector.load %arg1[%get3A_13, %get3A_14] : memref<2048x128xf32, #tpu.memory_space<vmem>>, vector<2048x64xf32>
    %broadcast_in_dim3A = vector.shape_cast %gt3A_3 : vector<2048x1xi1> to vector<2048x1xi1>
    %broadcast_in_dim3A_16 = vector.broadcast %broadcast_in_dim3A : vector<2048x1xi1> to vector<2048x64xi1>
    %select_n3A = arith.select %broadcast_in_dim3A_16, %get3A_12, %get3A_15 : vector<2048x64xi1>, vector<2048x64xf32>
    %get3A_17 = arith.constant 0 : index
    %get3A_18 = arith.constant 64 : index
    %get3A_19 = vector.load %arg2[%get3A_17, %get3A_18] : memref<2048x128xf32, #tpu.memory_space<vmem>>, vector<2048x64xf32>
    %get3A_20 = arith.constant 0 : index
    %get3A_21 = arith.constant 0 : index
    %get3A_22 = vector.load %arg2[%get3A_20, %get3A_21] : memref<2048x128xf32, #tpu.memory_space<vmem>>, vector<2048x64xf32>
    %broadcast_in_dim3A_23 = vector.shape_cast %gt3A_9 : vector<2048x1xi1> to vector<2048x1xi1>
    %broadcast_in_dim3A_24 = vector.broadcast %broadcast_in_dim3A_23 : vector<2048x1xi1> to vector<2048x64xi1>
    %select_n3A_25 = arith.select %broadcast_in_dim3A_24, %get3A_19, %get3A_22 : vector<2048x64xi1>, vector<2048x64xf32>
    %get3A_26 = arith.constant 0 : index
    %get3A_27 = arith.constant 0 : index
    %get3A_28 = vector.load %arg5[%get3A_26, %get3A_27] : memref<64x128xf32, #tpu.memory_space<vmem>>, vector<64x128xf32>
    %dot_general3A = arith.constant dense<0.000000e+00> : vector<2048x128xf32>
    %dot_general3A_29 = tpu.matmul %select_n3A, %get3A_28, %dot_general3A {dimension_numbers = #tpu.dot_dimension_numbers<[1], [0], [0], [1], [0, 0, 1, 1], [], []>, transpose_lhs_hint = false} : vector<2048x64xf32>, vector<64x128xf32>, vector<2048x128xf32> -> vector<2048x128xf32>
    %get3A_30 = arith.constant 0 : index
    %get3A_31 = arith.constant 0 : index
    %get3A_32 = vector.load %arg6[%get3A_30, %get3A_31] : memref<64x128xf32, #tpu.memory_space<vmem>>, vector<64x128xf32>
    %dot_general3A_33 = arith.constant dense<0.000000e+00> : vector<2048x128xf32>
    %dot_general3A_34 = tpu.matmul %select_n3A_25, %get3A_32, %dot_general3A_33 {dimension_numbers = #tpu.dot_dimension_numbers<[1], [0], [0], [1], [0, 0, 1, 1], [], []>, transpose_lhs_hint = false} : vector<2048x64xf32>, vector<64x128xf32>, vector<2048x128xf32> -> vector<2048x128xf32>
    %add3A = arith.addf %dot_general3A_29, %dot_general3A_34 : vector<2048x128xf32>
    %get3A_35 = arith.constant 0 : index
    %get3A_36 = arith.constant 0 : index
    %get3A_37 = vector.load %arg7[%get3A_35, %get3A_36] : memref<1x128xf32, #tpu.memory_space<vmem>>, vector<1x128xf32>
    %add3A_38 = vector.broadcast %get3A_37 : vector<1x128xf32> to vector<2048x128xf32>
    %add3A_39 = arith.addf %add3A, %add3A_38 : vector<2048x128xf32>
    %max3A = arith.constant 0.000000e+00 : f32
    %max3A_40 = vector.broadcast %max3A : f32 to vector<2048x128xf32>
    %max3A_41 = arith.maximumf %add3A_39, %max3A_40 : vector<2048x128xf32>
    %get3A_42 = arith.constant 0 : index
    %get3A_43 = arith.constant 0 : index
    %get3A_44 = vector.load %arg8[%get3A_42, %get3A_43] : memref<128x64xf32, #tpu.memory_space<vmem>>, vector<128x64xf32>
    %dot_general3A_45 = arith.constant dense<0.000000e+00> : vector<2048x64xf32>
    %dot_general3A_46 = tpu.matmul %max3A_41, %get3A_44, %dot_general3A_45 {dimension_numbers = #tpu.dot_dimension_numbers<[1], [0], [0], [1], [0, 0, 1, 1], [], []>, transpose_lhs_hint = false} : vector<2048x128xf32>, vector<128x64xf32>, vector<2048x64xf32> -> vector<2048x64xf32>
    %get3A_47 = arith.constant 0 : index
    %get3A_48 = arith.constant 0 : index
    %get3A_49 = vector.load %arg9[%get3A_47, %get3A_48] : memref<1x64xf32, #tpu.memory_space<vmem>>, vector<1x64xf32>
    %add3A_50 = vector.broadcast %get3A_49 : vector<1x64xf32> to vector<2048x64xf32>
    %add3A_51 = arith.addf %dot_general3A_46, %add3A_50 : vector<2048x64xf32>
    %max3A_52 = arith.constant 0.000000e+00 : f32
    %max3A_53 = vector.broadcast %max3A_52 : f32 to vector<2048x64xf32>
    %max3A_54 = arith.maximumf %add3A_51, %max3A_53 : vector<2048x64xf32>
    %get3A_55 = arith.constant 0 : index
    %get3A_56 = arith.constant 0 : index
    %get3A_57 = vector.load %arg10[%get3A_55, %get3A_56] : memref<64x32xf32, #tpu.memory_space<vmem>>, vector<64x32xf32>
    %dot_general3A_58 = arith.constant dense<0.000000e+00> : vector<2048x32xf32>
    %dot_general3A_59 = tpu.matmul %max3A_54, %get3A_57, %dot_general3A_58 {dimension_numbers = #tpu.dot_dimension_numbers<[1], [0], [0], [1], [0, 0, 1, 1], [], []>, transpose_lhs_hint = false} : vector<2048x64xf32>, vector<64x32xf32>, vector<2048x32xf32> -> vector<2048x32xf32>
    %get3A_60 = arith.constant 0 : index
    %get3A_61 = arith.constant 0 : index
    %get3A_62 = vector.load %arg11[%get3A_60, %get3A_61] : memref<1x32xf32, #tpu.memory_space<vmem>>, vector<1x32xf32>
    %add3A_63 = vector.broadcast %get3A_62 : vector<1x32xf32> to vector<2048x32xf32>
    %add3A_64 = arith.addf %dot_general3A_59, %add3A_63 : vector<2048x32xf32>
    %max3A_65 = arith.constant 0.000000e+00 : f32
    %max3A_66 = vector.broadcast %max3A_65 : f32 to vector<2048x32xf32>
    %max3A_67 = arith.maximumf %add3A_64, %max3A_66 : vector<2048x32xf32>
    %get3A_68 = arith.constant 0 : index
    %get3A_69 = arith.constant 0 : index
    %get3A_70 = vector.load %arg12[%get3A_68, %get3A_69] : memref<32x1xf32, #tpu.memory_space<vmem>>, vector<32x1xf32>
    %dot_general3A_71 = arith.constant dense<0.000000e+00> : vector<2048x1xf32>
    %dot_general3A_72 = tpu.matmul %max3A_67, %get3A_70, %dot_general3A_71 {dimension_numbers = #tpu.dot_dimension_numbers<[1], [0], [0], [1], [0, 0, 1, 1], [], []>, transpose_lhs_hint = false} : vector<2048x32xf32>, vector<32x1xf32>, vector<2048x1xf32> -> vector<2048x1xf32>
    %get3A_73 = arith.constant 0 : index
    %get3A_74 = arith.constant 0 : index
    %get3A_75 = vector.load %arg13[%get3A_73, %get3A_74] : memref<1x1xf32, #tpu.memory_space<vmem>>, vector<1x1xf32>
    %add3A_76 = vector.broadcast %get3A_75 : vector<1x1xf32> to vector<2048x1xf32>
    %add3A_77 = arith.addf %dot_general3A_72, %add3A_76 : vector<2048x1xf32>
    %logistic3A = arith.negf %add3A_77 : vector<2048x1xf32>
    %logistic3A_78 = math.exp %logistic3A : vector<2048x1xf32>
    %logistic3A_79 = arith.constant 1.000000e+00 : f32
    %logistic3A_80 = vector.broadcast %logistic3A_79 : f32 to vector<2048x1xf32>
    %logistic3A_81 = arith.addf %logistic3A_80, %logistic3A_78 : vector<2048x1xf32>
    %logistic3A_82 = arith.divf %logistic3A_80, %logistic3A_81 : vector<2048x1xf32>
    %swap3A = arith.constant 0 : index
    %swap3A_83 = arith.constant 0 : index
    %swap3A_84 = vector.load %arg14[%swap3A, %swap3A_83] : memref<2048x1xf32, #tpu.memory_space<vmem>>, vector<2048x1xf32>
    tpu.vector_store %arg14[%swap3A, %swap3A_83], %logistic3A_82 {strides = array<i32>} : memref<2048x1xf32, #tpu.memory_space<vmem>>, vector<2048x1xf32>,
    return
  }
  func.func @transform_0(%arg0: i32) -> (i32, i32) {
    %c0_i32 = arith.constant 0 : i32
    %c0_i32_0 = arith.constant 0 : i32
    return %arg0, %c0_i32 : i32, i32
  }
  func.func @transform_1(%arg0: i32) -> (i32, i32) {
    %c0_i32 = arith.constant 0 : i32
    %c0_i32_0 = arith.constant 0 : i32
    return %arg0, %c0_i32 : i32, i32
  }
  func.func @transform_2(%arg0: i32) -> (i32, i32) {
    %c0_i32 = arith.constant 0 : i32
    %c0_i32_0 = arith.constant 0 : i32
    return %arg0, %c0_i32 : i32, i32
  }
  func.func @transform_3(%arg0: i32) -> (i32, i32) {
    %c0_i32 = arith.constant 0 : i32
    %c0_i32_0 = arith.constant 0 : i32
    return %arg0, %c0_i32 : i32, i32
  }
  func.func @transform_4(%arg0: i32) -> (i32, i32) {
    %c0_i32 = arith.constant 0 : i32
    %c0_i32_0 = arith.constant 0 : i32
    %c0_i32_1 = arith.constant 0 : i32
    return %c0_i32, %c0_i32_0 : i32, i32
  }
  func.func @transform_5(%arg0: i32) -> (i32, i32) {
    %c0_i32 = arith.constant 0 : i32
    %c0_i32_0 = arith.constant 0 : i32
    %c0_i32_1 = arith.constant 0 : i32
    return %c0_i32, %c0_i32_0 : i32, i32
  }
  func.func @transform_6(%arg0: i32) -> (i32, i32) {
    %c0_i32 = arith.constant 0 : i32
    %c0_i32_0 = arith.constant 0 : i32
    %c0_i32_1 = arith.constant 0 : i32
    return %c0_i32, %c0_i32_0 : i32, i32
  }
  func.func @transform_7(%arg0: i32) -> (i32, i32) {
    %c0_i32 = arith.constant 0 : i32
    %c0_i32_0 = arith.constant 0 : i32
    %c0_i32_1 = arith.constant 0 : i32
    return %c0_i32, %c0_i32_0 : i32, i32
  }
  func.func @transform_8(%arg0: i32) -> (i32, i32) {
    %c0_i32 = arith.constant 0 : i32
    %c0_i32_0 = arith.constant 0 : i32
    %c0_i32_1 = arith.constant 0 : i32
    return %c0_i32, %c0_i32_0 : i32, i32
  }
  func.func @transform_9(%arg0: i32) -> (i32, i32) {
    %c0_i32 = arith.constant 0 : i32
    %c0_i32_0 = arith.constant 0 : i32
    %c0_i32_1 = arith.constant 0 : i32
    return %c0_i32, %c0_i32_0 : i32, i32
  }
  func.func @transform_10(%arg0: i32) -> (i32, i32) {
    %c0_i32 = arith.constant 0 : i32
    %c0_i32_0 = arith.constant 0 : i32
    %c0_i32_1 = arith.constant 0 : i32
    return %c0_i32, %c0_i32_0 : i32, i32
  }
  func.func @transform_11(%arg0: i32) -> (i32, i32) {
    %c0_i32 = arith.constant 0 : i32
    %c0_i32_0 = arith.constant 0 : i32
    %c0_i32_1 = arith.constant 0 : i32
    return %c0_i32, %c0_i32_0 : i32, i32
  }
  func.func @transform_12(%arg0: i32) -> (i32, i32) {
    %c0_i32 = arith.constant 0 : i32
    %c0_i32_0 = arith.constant 0 : i32
    %c0_i32_1 = arith.constant 0 : i32
    return %c0_i32, %c0_i32_0 : i32, i32
  }
  func.func @transform_13(%arg0: i32) -> (i32, i32) {
    %c0_i32 = arith.constant 0 : i32
    %c0_i32_0 = arith.constant 0 : i32
    return %arg0, %c0_i32 : i32, i32
  }
}

</mosaic_0001>

<sc_bundles>
// kernel: kernel.6.cloned.1.call-start
scs
__scs_entry_jumppad:
0x0: {  	(pc) =	sbr.rel $0x88, $3  }
0x1: {  	(tag) =	ssettag $0x0;
	lr =	simm.s32 $0x1  }
0x2: {  	[smem:$0x3F95] =	sst lr;
	_ =	strace $0xD0000000  }
0x3: {  	_ = 	snop  }
0x4: {  	_ = 	snop  }
0x5: {  	_ = 	snop  }
0x6: {  	_ = 	snop  }
0x7: {  	_ = 	snop  }
__scs_overlays_trampoline_lowered:
0x8: {  	[smem:$0x3FA4] =	sst s0  }
0x9: {  	[smem:$0x3FA5] =	sst s1  }
0xa: {  	[smem:$0x3FA6] =	sst s2  }
0xb: {  	[smem:$0x3FA7] =	sst s3  }
0xc: {  	[smem:$0x3FA8] =	sst s4  }
0xd: {  	[smem:$0x3FA9] =	sst s5  }
0xe: {  	[smem:$0x3FAA] =	sst s6  }
0xf: {  	[smem:$0x3FAB] =	sst s7  }
0x10: {  	[smem:$0x3FAC] =	sst s8  }
0x11: {  	[smem:$0x3FAD] =	sst s9;
	s0 =	simm.s32 @!p0 $0x0  }
0x12: {  	s1 =	sld [smem:$0x3F93];
	s0 =	simm.s32 @p0 $0x1  }
0x13: {  	[smem:$0x3FAE] =	sst s0;
	s0 =	simm.s32 @!p1 $0x0  }
0x14: {  	s2 =	sld [smem:$0x3F92];
	s0 =	simm.s32 @p1 $0x1  }
0x15: {  	[smem:$0x3FAF] =	sst s0;
	s0 =	simm.s32 @!p2 $0x0  }
0x16: {  	s3 =	sld [smem:$0x3FDB];
	s0 =	simm.s32 @p2 $0x1  }
0x17: {  	s4 =	simm.s32 $0x1BF5;
	[smem:$0x3FB1] =	sst s0  }
0x18: {  	s0 =	sld [smem:$0x3F94];
	_ =	swait.ge [sflag:s4], $0x0  }
0x19: {  	s7 =	sld [smem:$0x3F95]  }
0x1a: {  	s8 =	sadd.s32 $0xFFFFE003, lr  }
0x1b: {  	s9 =	sadd.s32 $0xFFFFFEF7, lr;
	s5 =	simm.s32 $0xFFFFFFFF;
	p2 =	slt.u32 s8, $0xFFFFF086  }
0x1c: {  	p1 =	slt.u32 s9, $0xF7A;
	s5 =	simm.s32 @!p2 $0x0  }
0x1d: {  	s5 =	simm.s32 @p1 $0x1;
	p0 =	seq.s32 s7, s2  }
0x1e: {  	s7 =	smul.u32 @!p0 $0xF7A, s2;
	p2 =	seq.s32 @!p0 s5, $0x0  }
0x1f: {  	s9 =	smul.u32 $0xF7A, s1;
	s8 =	simm.s32 @!p0 $0x1BF5;
	p2 =	por !p2, p0  }
0x20: {  	[sflag:s8] =	ssyncset.s32 @!p0 $0xFFFFF086;
	s6 =	sadd.s32 @!p0 s3, s7;
	s7 =	simm.s32 @!p0 $0x108  }
0x21: {  	s3 =	sadd.s32 s3, s9;
	s6 =	sadd.s32 @!p0 $0x88, s6;
	s7 =	simm.s32 @p2 $0x1082  }
0x22: {  	[simem:s7], [sflag:s8] =	dma.local @!p0 [hbm:s6], $0xF7A  }
0x23: {  	s9 =	sor.u32 $0xD0000000, s2;
	s6 =	simm.s32 $0x108;
	_ =	swait.ge @!p0 [sflag:s8], $0x0  }
0x24: {  	s3 =	sadd.s32 $0x88, s3;
	s6 =	simm.s32 @!p1 $0x1082;
	[sflag:s4] =	ssyncset.s32 $0xFFFFF086  }
0x25: {  	[simem:s6], [sflag:s4] =	dma.local [hbm:s3], $0xF7A  }
0x26: {  	[smem:$0x3F95] =	sst s1;
	(tag) =	ssettag s2;
	_ =	strace s9  }
0x27: {  	s1 =	sld [smem:$0x3FA5]  }
0x28: {  	s2 =	sld [smem:$0x3FA6]  }
0x29: {  	s4 =	sld [smem:$0x3FA8]  }
0x2a: {  	p0 =	seq.s32 s5, $0x0;
	s5 =	sld [smem:$0x3FA9]  }
0x2b: {  	s6 =	sld [smem:$0x3FAA]  }
0x2c: {  	s7 =	sld [smem:$0x3FAB]  }
0x2d: {  	s3 =	simm.s32 $0x108;
	s8 =	sld [smem:$0x3FAC]  }
0x2e: {  	s3 =	simm.s32 @!p0 $0x1082;
	s9 =	sld [smem:$0x3FAD]  }
0x2f: {  	lr =	sadd.s32 s0, s3;
	s0 =	sld [smem:$0x3FA4]  }
0x30: {  	s3 =	sld [smem:$0x3FA7]  }
0x31: {  	[smem:$0x3FB0] =	sst s10  }
0x32: {  	s10 =	sld [smem:$0x3FAE];
	_ =	sdelay $0x3  }
0x33: {  	p0 =	seq.s32 s10, $0x1;
	s10 =	sld [smem:$0x3FB0];
	_ =	sdelay $0x3  }
0x34: {  	[smem:$0x3FB0] =	sst s10  }
0x35: {  	s10 =	sld [smem:$0x3FAF];
	_ =	sdelay $0x3  }
0x36: {  	p1 =	seq.s32 s10, $0x1;
	s10 =	sld [smem:$0x3FB0];
	_ =	sdelay $0x3  }
0x37: {  	[smem:$0x3FB0] =	sst s10  }
0x38: {  	s10 =	sld [smem:$0x3FB1]  }
0x39: {  	_ = 	snop;
	(pc) =	sbr.ind lr, $3  }
0x3a: {  	_ = 	snop  }
0x3b: {  	_ = 	snop  }
0x3c: {  	p2 =	seq.s32 s10, $0x1;
	s10 =	sld [smem:$0x3FB0]  }
0x3d: {  	_ =	shalt  }
0x3e: {  	_ =	shalt  }
0x3f: {  	_ =	shalt  }
0x40: {  	_ =	shalt  }
0x41: {  	_ =	shalt  }
0x42: {  	_ =	shalt  }
0x43: {  	_ =	shalt  }
0x44: {  	_ =	shalt  }
0x45: {  	_ =	shalt  }
0x46: {  	_ =	shalt  }
0x47: {  	_ =	shalt  }
0x48: {  	_ =	shalt  }
0x49: {  	_ =	shalt  }
0x4a: {  	_ =	shalt  }
0x4b: {  	_ =	shalt  }
0x4c: {  	_ =	shalt  }
0x4d: {  	_ =	shalt  }
0x4e: {  	_ =	shalt  }
0x4f: {  	_ =	shalt  }
0x50: {  	_ =	shalt  }
0x51: {  	_ =	shalt  }
0x52: {  	_ =	shalt  }
0x53: {  	_ =	shalt  }
0x54: {  	_ =	shalt  }
0x55: {  	_ =	shalt  }
0x56: {  	_ =	shalt  }
0x57: {  	_ =	shalt  }
0x58: {  	_ =	shalt  }
0x59: {  	_ =	shalt  }
0x5a: {  	_ =	shalt  }
0x5b: {  	_ =	shalt  }
0x5c: {  	_ =	shalt  }
0x5d: {  	_ =	shalt  }
0x5e: {  	_ =	shalt  }
0x5f: {  	_ =	shalt  }
0x60: {  	_ =	shalt  }
0x61: {  	_ =	shalt  }
0x62: {  	_ =	shalt  }
0x63: {  	_ =	shalt  }
0x64: {  	_ =	shalt  }
0x65: {  	_ =	shalt  }
0x66: {  	_ =	shalt  }
0x67: {  	_ =	shalt  }
0x68: {  	_ =	shalt  }
0x69: {  	_ =	shalt  }
0x6a: {  	_ =	shalt  }
0x6b: {  	_ =	shalt  }
0x6c: {  	_ =	shalt  }
0x6d: {  	_ =	shalt  }
0x6e: {  	_ =	shalt  }
0x6f: {  	_ =	shalt  }
0x70: {  	_ =	shalt  }
0x71: {  	_ =	shalt  }
0x72: {  	_ =	shalt  }
0x73: {  	_ =	shalt  }
0x74: {  	_ =	shalt  }
0x75: {  	_ =	shalt  }
0x76: {  	_ =	shalt  }
0x77: {  	_ =	shalt  }
0x78: {  	_ =	shalt  }
0x79: {  	_ =	shalt  }
0x7a: {  	_ =	shalt  }
0x7b: {  	_ =	shalt  }
0x7c: {  	_ =	shalt  }
0x7d: {  	_ =	shalt  }
0x7e: {  	_ =	shalt  }
0x7f: {  	_ =	shalt  }
0x80: {  	_ =	shalt  }
0x81: {  	_ =	shalt  }
0x82: {  	_ =	shalt  }
0x83: {  	_ =	shalt  }
0x84: {  	_ =	shalt  }
0x85: {  	_ =	shalt  }
0x86: {  	_ =	shalt  }
0x87: {  	_ =	shalt  }
.Lfunc_end0:
.L_simem_size_0:
called_computation_lowered:
.L_overlay_start_0:
0x88: {  	s2 =	sld [smem:$0x3FD9]  }
0x89: {  	s3 =	sld [smem:$0x3FFE];
	_ =	sdelay $0x1  }
0x8a: {  	s1 =	srdreg.scid  }
0x8b: {  	s0 =	sand.u32 $0x1, s1  }
0x8c: {  	s16 =	sshll.u32 s0, $0xA;
	s2 =	sadd.s32 s3, s2  }
0x8d: {  	s2 =	sadd.s32 s2, s16  }
0x8e: {  	[smem:$0x3FBC] =	sst s2  }
0x8f: {  	_ = 	snop  }
0x90: {  	(tm) =	ssettm $0x1  }
0x91: {  	s17 =	sld [smem:$0x3FFB];
	_ =	sdelay $0x3  }
0x92: {  	_ =	strace s17  }
0x93: {  	s2 =	sld [smem:$0x3FFC];
	_ =	sdelay $0x3  }
0x94: {  	_ =	strace s2  }
0x95: {  	s2 =	sld [smem:$0x3FFD];
	_ =	sdelay $0x3  }
0x96: {  	_ =	strace s2  }
0x97: {  	_ =	strace $0x8FFFFFFF  }
0x98: {  	s18 =	sld [smem:$0x3FDB];
	_ =	sdelay $0x1  }
0x99: {  	s19 =	simm.s32 $_scs_section_size  }
0x9a: {  	s4 =	simm.s32 $_size__tile_overlayer_lowered;
	s5 =	simm.s32 $_tile_overlayer_lowered  }
0x9b: {  	s22 =	simm.s32 $0x1BFF;
	s21 =	sshll.u32 s5, $0x1;
	s2 =	sadd.s32 s19, s18  }
0x9c: {  	s6 =	simm.s32 $0x0;
	s20 =	sshll.u32 s4, $0x1;
	s4 =	sadd.s32 s21, s2  }
0x9d: {  	[timem:s6], [sflag:s22] =	dma.local [hbm:s4], s20  }
0x9e: {  	_ =	swait.ge [sflag:s22], s20  }
0x9f: {  	s3 =	ssub.s32 $0x0, s20;
	[sflag:s22] =	ssyncset.done $0x0  }
0xa0: {  	[sflag:s22] =	ssyncadd.s32 s3;
	_ =	sdelay $0x1  }
0xa1: {  	s23 =	simm.s32 $0x1B8B  }
0xa2: {  	_ =	swait.ge [sflag:s23], $0x1  }
0xa3: {  	[sflag:s23] =	ssyncset.done $0x0  }
0xa4: {  	s25 =	simm.s32 $0x1B8E;
	s24 =	sld [smem:$0x3FFE];
	[sflag:s23] =	ssyncadd.s32 $0xFFFFFFFF  }
0xa5: {  	s26 =	simm.s32 $execute0_lowered;
	[smem:$0x3FD2] =	sst s25  }
0xa6: {  	s4 =	sshll.u32 s26, $0x1;
	_ =	strace $0x80000046;
	[dreg:$0x1] =	wrdreg $0xFFFFFFFF  }
0xa7: {  	s28 =	simm.s32 $_size_execute0_lowered;
	s2 =	sadd.s32 s2, s4;
	[dreg:$0x0] =	wrdreg $0x0  }
0xa8: {  	s4 =	sshll.u32 s28, $0x1;
	[dreg:$0x2] =	wrdreg s2  }
0xa9: {  	[dreg:$0x3] =	wrdreg s4  }
0xaa: {  	[dreg:$0x4] =	wrdreg $0xC0  }
0xab: {  	_ =	task [dreg:s6], $0x5FFFF  }
0xac: {  	[dreg:$0x1] =	wrdreg $0xFFFFFFFF  }
0xad: {  	[dreg:$0x0] =	wrdreg $0x60  }
0xae: {  	[dreg:$0x2] =	wrdreg s24  }
0xaf: {  	[dreg:$0x3] =	wrdreg $0x9  }
0xb0: {  	_ =	task.clear_ibuf [dreg:s6], $0x4FFFF;
	_ =	strace $0x90000046  }
0xb1: {  	s29 =	simm.s32 $0x9;
	_ =	strace $0x80000048  }
0xb2: {  	_ =	swait.ge [sflag:s29], $0x1  }
0xb3: {  	[sflag:s29] =	ssyncadd.s32 $0xFFFFFFFF  }
0xb4: {  	_ =	strace $0x90000048  }
0xb5: {  	_ =	sfence  }
0xb6: {  	s30 =	sld [smem:$0x0];
	_ =	sdelay $0x2  }
0xb7: {  	s31 =	sshll.u32 s1, $0xD;
	s1 =	sshrl.u32 s1, $0x2  }
0xb8: {  	s3 =	sand.u32 $0x4000, s31;
	s1 =	sadd.s32 s1, s30  }
0xb9: {  	s0 =	sor.u32 s3, s0;
	s1 =	sshll.u32 s1, $0x11  }
0xba: {  	s0 =	sor.u32 s1, s0  }
0xbb: {  	s0 =	sadd.s32 $0x8F2B, s0  }
0xbc: {  	[sflag:s0] =	ssyncadd.remote.s32 $0x1  }
0xbd: {  	_ =	sfence.sel $0xFFFF  }
0xbe: {  	[dreg:$0x0] =	wrdreg $0xFFFFFFFF;
	(pc) =	sbr.abs _section_cstart, $3  }
0xbf: {  	[dreg:$0x1] =	wrdreg $0xFFFFFFFF  }
0xc0: {  	_ =	task.clear_ibuf [dreg:s6], $0x2FFFF;
	_ =	strace $0x9FFFFFFF  }
0xc1: {  	(tm) =	ssettm $0x7FFFFFFF  }
tec
execute0_lowered:
.L_overlay_start_1:
0x0: {  	(tag) =	ssettag $0x1  }
0x1: {  	s1 =	srdreg.scid  }
0x2: {  	s0 =	stileid.u32;
	s18 =	sand.u32 $0x1, s1  }
0x3: {  	s30 =	sshll.u32 s0, $0xA;
	s2 =	sshll.u32 s18, $0x9  }
0x4: {  	s15 =	rddreg [dreg:$0x0];
	s13 =	sor.u32 s2, s30  }
0x5: {  	s1 =	rddreg [dreg:$0x1];
	s2 =	simm.s32 $0x0;
	s3 =	sshrl.u32 s13, $0x3  }
0x6: {  	[smem:$0x7FF] =	sst s2;
	s5 =	sadd.s32 s3, s15  }
0x7: {  	_ =	strace $0x80000047;
	s3 =	simm.s32 $0x3;
	s4 =	sadd.s32 $0x3000, s5  }
0x8: {  	[tilespmem:s2], [sflag:$0x3] =	stream.linear.gather [hbm4b:s4+s2], $0x200, $0x38;
	[tilespmem:$0x10400] =	vst v63  }
0x9: {  	_ =	swait.ge [sflag:s3], $0x200  }
0xa: {  	[sflag:s3] =	ssyncset.done $0x0  }
0xb: {  	s6 =	simm.s32 $0x200;
	s5 =	sadd.s32 $0x2800, s5;
	[sflag:s3] =	ssyncadd.s32 $0xFFFFFE00  }
0xc: {  	[tilespmem:s6], [sflag:$0x3] =	stream.linear.gather [hbm4b:s5+s2], $0x200, $0x38;
	[tilespmem:$0x10400] =	vst v63  }
0xd: {  	_ =	swait.ge [sflag:s3], $0x200  }
0xe: {  	s8 =	simm.s32 $0x100;
	[sflag:s3] =	ssyncset.done $0x0  }
0xf: {  	s9 =	simm.s32 $0x400;
	s7 =	sadd.s32 $0xF44400, s15;
	[sflag:s3] =	ssyncadd.s32 $0xFFFFFE00  }
0x10: {  	[tilespmem:s9], [sflag:$0x1] =	stream.indirect.gather [hbm4b:s7+s8], $0x80, s2, s8, $0xb8;
	[tilespmem:$0x10400] =	vst v63  }
0x11: {  	s11 =	simm.s32 $0x8400;
	s12 =	simm.s32 $0x1;
	s10 =	sadd.s32 $0x16E5600, s15  }
0x12: {  	[tilespmem:s11], [sflag:$0x2] =	stream.indirect.gather [hbm4b:s10+s8], $0x80, s6, s8, $0xb8;
	[tilespmem:$0x10400] =	vst v63  }
0x13: {  	_ =	swait.ge [sflag:s12], $0x8000  }
0x14: {  	s17 =	sadd.s32 $0x3800, s15;
	s19 =	sshll.u32 s13, $0x4;
	[sflag:s12] =	ssyncset.done $0x0  }
0x15: {  	s13 =	sadd.s32 s17, s19;
	[sflag:s12] =	ssyncadd.s32 $0xFFFF8000  }
0x16: {  	[hbm4b:s13+s2] =	stream.linear.scatter [tilespmem:s9], [sflag:$0x3], $0x8000, $0x38;
	[tilespmem:$0x10400] =	vst v63  }
0x17: {  	_ =	swait.ge [sflag:s3], $0x8000  }
0x18: {  	[sflag:s3] =	ssyncset.done $0x0  }
0x19: {  	s14 =	simm.s32 $0x2;
	[sflag:s3] =	ssyncadd.s32 $0xFFFF8000  }
0x1a: {  	_ =	swait.ge [sflag:s14], $0x8000  }
0x1b: {  	s20 =	sadd.s32 $0x43800, s15;
	[sflag:s14] =	ssyncset.done $0x0  }
0x1c: {  	s15 =	sadd.s32 s20, s19;
	[sflag:s14] =	ssyncadd.s32 $0xFFFF8000  }
0x1d: {  	[hbm4b:s15+s2] =	stream.linear.scatter [tilespmem:s11], [sflag:$0x3], $0x8000, $0x38;
	[tilespmem:$0x10400] =	vst v63  }
0x1e: {  	_ =	swait.ge [sflag:s3], $0x8000  }
0x1f: {  	[sflag:s3] =	ssyncset.done $0x0  }
0x20: {  	[sflag:s3] =	ssyncadd.s32 $0xFFFF8000  }
0x21: {  	[tilespmem:s9], [sflag:$0x1] =	stream.indirect.gather [hbm4b:s7+s8], $0x80, s8, s8, $0xb8;
	[tilespmem:$0x10400] =	vst v63  }
0x22: {  	s16 =	simm.s32 $0x300  }
0x23: {  	[tilespmem:s11], [sflag:$0x2] =	stream.indirect.gather [hbm4b:s10+s8], $0x80, s16, s8, $0xb8;
	[tilespmem:$0x10400] =	vst v63  }
0x24: {  	_ =	swait.ge [sflag:s12], $0x8000  }
0x25: {  	s19 =	sor.u32 $0x1000, s19;
	[sflag:s12] =	ssyncset.done $0x0  }
0x26: {  	s18 =	ssub.s32 $0x2, s18;
	s17 =	sadd.s32 s17, s19;
	[sflag:s12] =	ssyncadd.s32 $0xFFFF8000  }
0x27: {  	[hbm4b:s17+s2] =	stream.linear.scatter [tilespmem:s9], [sflag:$0x3], $0x8000, $0x38;
	[tilespmem:$0x10400] =	vst v63  }
0x28: {  	s21 =	sshrl.u32 s18, $0x1;
	_ =	swait.ge [sflag:s3], $0x8000  }
0x29: {  	s21 =	ssub.s32 s18, s21;
	[sflag:s3] =	ssyncset.done $0x0  }
0x2a: {  	s31 =	smax.u32 s21, $0x1;
	[sflag:s3] =	ssyncadd.s32 $0xFFFF8000  }
0x2b: {  	p0 =	sne.s32 s31, $0x1;
	_ =	swait.ge [sflag:s14], $0x8000  }
.Ltmp0:
0x2c: {  	[sflag:s14] =	ssyncset.done $0x0;
	(pc) =	sbr.rel @!p0 .LBB2_2-.Ltmp0, $4  }
0x2d: {  	s18 =	sadd.s32 s20, s19;
	[sflag:s14] =	ssyncadd.s32 $0xFFFF8000  }
0x2e: {  	[hbm4b:s18+s2] =	stream.linear.scatter [tilespmem:s11], [sflag:$0x3], $0x8000, $0x38;
	[tilespmem:$0x10400] =	vst v63  }
0x2f: {  	_ =	swait.ge [sflag:s3], $0x8000  }
0x30: {  	s19 =	sadd.s32 $0xFFFFFFFF, s31;
	[sflag:s3] =	ssyncset.done $0x0  }
.LBB2_1:
0x31: {  	p0 =	sne.s32 s19, $0x1;
	s19 =	sadd.s32 $0xFFFFFFFF, s19;
	[sflag:s3] =	ssyncadd.s32 $0xFFFF8000  }
0x32: {  	[tilespmem:s2], [sflag:$0x3] =	stream.linear.gather [hbm4b:s4+s2], $0x200, $0x38;
	[tilespmem:$0x10400] =	vst v63  }
0x33: {  	_ =	swait.ge [sflag:s3], $0x200  }
0x34: {  	[sflag:s3] =	ssyncset.done $0x0  }
0x35: {  	[sflag:s3] =	ssyncadd.s32 $0xFFFFFE00  }
0x36: {  	[tilespmem:s6], [sflag:$0x3] =	stream.linear.gather [hbm4b:s5+s2], $0x200, $0x38;
	[tilespmem:$0x10400] =	vst v63  }
0x37: {  	_ =	swait.ge [sflag:s3], $0x200  }
0x38: {  	[sflag:s3] =	ssyncset.done $0x0  }
0x39: {  	[sflag:s3] =	ssyncadd.s32 $0xFFFFFE00  }
0x3a: {  	[tilespmem:s9], [sflag:$0x1] =	stream.indirect.gather [hbm4b:s7+s8], $0x80, s2, s8, $0xb8;
	[tilespmem:$0x10400] =	vst v63  }
0x3b: {  	_ = 	snop  }
0x3c: {  	[tilespmem:s11], [sflag:$0x2] =	stream.indirect.gather [hbm4b:s10+s8], $0x80, s6, s8, $0xb8;
	[tilespmem:$0x10400] =	vst v63  }
0x3d: {  	_ =	swait.ge [sflag:s12], $0x8000  }
0x3e: {  	[sflag:s12] =	ssyncset.done $0x0  }
0x3f: {  	[sflag:s12] =	ssyncadd.s32 $0xFFFF8000  }
0x40: {  	[hbm4b:s13+s2] =	stream.linear.scatter [tilespmem:s9], [sflag:$0x3], $0x8000, $0x38;
	[tilespmem:$0x10400] =	vst v63  }
0x41: {  	_ =	swait.ge [sflag:s3], $0x8000  }
0x42: {  	[sflag:s3] =	ssyncset.done $0x0  }
0x43: {  	[sflag:s3] =	ssyncadd.s32 $0xFFFF8000  }
0x44: {  	_ =	swait.ge [sflag:s14], $0x8000  }
0x45: {  	[sflag:s14] =	ssyncset.done $0x0  }
0x46: {  	[sflag:s14] =	ssyncadd.s32 $0xFFFF8000  }
0x47: {  	[hbm4b:s15+s2] =	stream.linear.scatter [tilespmem:s11], [sflag:$0x3], $0x8000, $0x38;
	[tilespmem:$0x10400] =	vst v63  }
0x48: {  	_ =	swait.ge [sflag:s3], $0x8000  }
0x49: {  	[sflag:s3] =	ssyncset.done $0x0  }
0x4a: {  	[sflag:s3] =	ssyncadd.s32 $0xFFFF8000  }
0x4b: {  	[tilespmem:s9], [sflag:$0x1] =	stream.indirect.gather [hbm4b:s7+s8], $0x80, s8, s8, $0xb8;
	[tilespmem:$0x10400] =	vst v63  }
0x4c: {  	_ = 	snop  }
0x4d: {  	[tilespmem:s11], [sflag:$0x2] =	stream.indirect.gather [hbm4b:s10+s8], $0x80, s16, s8, $0xb8;
	[tilespmem:$0x10400] =	vst v63  }
0x4e: {  	_ =	swait.ge [sflag:s12], $0x8000  }
0x4f: {  	[sflag:s12] =	ssyncset.done $0x0  }
0x50: {  	[sflag:s12] =	ssyncadd.s32 $0xFFFF8000  }
0x51: {  	[hbm4b:s17+s2] =	stream.linear.scatter [tilespmem:s9], [sflag:$0x3], $0x8000, $0x38;
	[tilespmem:$0x10400] =	vst v63  }
0x52: {  	_ =	swait.ge [sflag:s3], $0x8000  }
0x53: {  	[sflag:s3] =	ssyncset.done $0x0  }
0x54: {  	[sflag:s3] =	ssyncadd.s32 $0xFFFF8000  }
0x55: {  	_ =	swait.ge [sflag:s14], $0x8000  }
.Ltmp1:
0x56: {  	[sflag:s14] =	ssyncset.done $0x0;
	(pc) =	sbr.rel @p0 .LBB2_1-.Ltmp1, $4  }
0x57: {  	[sflag:s14] =	ssyncadd.s32 $0xFFFF8000  }
0x58: {  	[hbm4b:s18+s2] =	stream.linear.scatter [tilespmem:s11], [sflag:$0x3], $0x8000, $0x38;
	[tilespmem:$0x10400] =	vst v63  }
0x59: {  	_ =	swait.ge [sflag:s3], $0x8000  }
0x5a: {  	[sflag:s3] =	ssyncset.done $0x0  }
.LBB2_2:
0x5b: {  	[sflag:s3] =	ssyncadd.s32 $0xFFFF8000  }
0x5c: {  	_ =	sfence.sel $0x180000  }
0x5d: {  	[bflag:$0x0] =	sbarrier.arrive $0xFFFF  }
0x5e: {  	p0 =	sne.s32 s0, $0x0;
	_ =	strace $0x90000047  }
0x5f: {  	s0 =	sadd.s32 @!p0 $0x100000, s1;
	[bflag:$0x2] =	sbarrier.arrive $0xFFFF  }
0x60: {  	[sflag:s0] =	ssyncadd.tile.s32 @!p0 $0x1;
	_ =	shalt  }
.Lfunc_end2:
_tile_overlayer_lowered:
.L_overlay_start_2:
0x61: {  	(tag) =	ssettag $0x2  }
0x62: {  	s0 =	rddreg [dreg:$0x0];
	s2 =	stileid.u32  }
0x63: {  	s1 =	rddreg [dreg:$0x1];
	p0 =	sne.s32 s2, $0x0  }
0x64: {  	s3 =	rddreg [dreg:$0x2];
	[bflag:$0x3] =	sbarrier.arrive $0xFFFF;
	s2 =	simm.s32 @!p0 $0x1C03  }
0x65: {  	[timem:s3], [sflag:s2] =	dma.local @!p0 [hbm:s0], s1  }
0x66: {  	s0 =	simm.s32 @!p0 $0x3  }
0x67: {  	_ =	swait.ge @!p0 [sflag:s0], s1  }
0x68: {  	s1 =	ssub.s32 @!p0 $0x0, s1;
	[sflag:s0] =	ssyncset.done @!p0 $0x0  }
0x69: {  	[sflag:s0] =	ssyncadd.s32 @!p0 s1  }
0x6a: {  	[bflag:$0x3] =	sbarrier.arrive $0xFFFF  }
0x6b: {  	_ =	shalt  }

</sc_bundles>
